<compile_context>
chip_gen: v7x
topology: tpu7x:2x2x1
jax: 0.10.2.dev20260603
libtpu: 0.0.44.dev20260713+nightly
codegen_flags: <defaults>
</compile_context>

<pallas_src>
import functools

import jax
import jax.numpy as jnp
from jax import lax
from jax.experimental import pallas as pl
from jax.experimental.pallas import tpu as pltpu
from jax.experimental.pallas import tpu_sc as plsc

_ROW_BLOCK = 1024


def _argmin_body(xsq_ref, x_ref, keysm2_ref, ksq_ref, idx_ref):
    x = x_ref[...]
    keysm2 = keysm2_ref[...]
    dot = lax.dot_general(
        x, keysm2, (((1,), (1,)), ((), ())),
        preferred_element_type=jnp.float32)
    xsq = xsq_ref[...].reshape(_ROW_BLOCK, 1)
    d2 = xsq + dot + ksq_ref[...]
    dist = jnp.sqrt(d2)
    idx_ref[...] = jnp.argmin(dist, axis=1).astype(jnp.int32)


def _nearest_code(flat, xsq, keys, ksq):
    n = flat.shape[0]
    k = keys.shape[0]
    grid = n // _ROW_BLOCK
    return pl.pallas_call(
        _argmin_body,
        grid=(grid,),
        in_specs=[
            pl.BlockSpec((_ROW_BLOCK,), lambda i: (i,)),
            pl.BlockSpec((_ROW_BLOCK, flat.shape[1]), lambda i: (i, 0)),
            pl.BlockSpec((k, keys.shape[1]), lambda i: (0, 0)),
            pl.BlockSpec((1, k), lambda i: (0, 0)),
        ],
        out_specs=pl.BlockSpec((_ROW_BLOCK,), lambda i: (i,)),
        out_shape=jax.ShapeDtypeStruct((n,), jnp.int32),
    )(xsq, flat, keys, ksq)


def _gather_rows(values, idx):
    n = idx.shape[0]
    out_c = values.shape[1]
    mesh = plsc.VectorSubcoreMesh(core_axis_name="c", subcore_axis_name="s")
    num_workers = 2 * 16
    b_per_w = n // num_workers
    sub = 96
    n_sub = b_per_w // sub

    @functools.partial(
        pl.kernel,
        mesh=mesh,
        out_type=jax.ShapeDtypeStruct((n, out_c), jnp.float32),
        scratch_types=[
            pltpu.VMEM((b_per_w,), jnp.int32),
            pltpu.VMEM((2, sub, out_c), jnp.float32),
            pltpu.SemaphoreType.DMA((2,)),
            pltpu.SemaphoreType.DMA((2,)),
        ],
    )
    def gather_kernel(values_hbm, idx_hbm, out_hbm, idx_v, rows_v, gsem, ssem):
        wid = lax.axis_index("s") * 2 + lax.axis_index("c")
        base = wid * b_per_w
        pltpu.sync_copy(idx_hbm.at[pl.ds(base, b_per_w)], idx_v)
        gathers = [None] * n_sub
        stores = [None] * n_sub
        gathers[0] = pltpu.async_copy(
            values_hbm.at[idx_v.at[pl.ds(0, sub)]], rows_v.at[0], gsem.at[0])
        for j in range(n_sub):
            nxt = j + 1
            if nxt < n_sub:
                if j >= 1:
                    stores[j - 1].wait()
                gathers[nxt] = pltpu.async_copy(
                    values_hbm.at[idx_v.at[pl.ds(nxt * sub, sub)]],
                    rows_v.at[nxt % 2], gsem.at[nxt % 2])
            gathers[j].wait()
            stores[j] = pltpu.async_copy(
                rows_v.at[j % 2],
                out_hbm.at[pl.ds(base + j * sub, sub)], ssem.at[j % 2])
        stores[n_sub - 2].wait()
        stores[n_sub - 1].wait()

    return gather_kernel(values, idx)


@jax.jit
def kernel(x, keys, values):
    batchsz, lenseq, in_c = x.shape
    n = batchsz * lenseq
    flat = lax.optimization_barrier(x.reshape(n, in_c))
    xsq = jnp.sum(flat * flat, axis=1)
    ksq = jnp.sum(keys * keys, axis=1)[None, :]
    idx = _nearest_code(flat, xsq, keys * (-2.0), ksq)
    y = _gather_rows(values, idx)
    return y.reshape(batchsz, lenseq, values.shape[-1])

# --- scband reference (transcript-rebuilt; emitter-appended) ---
"""Pipeline reference for scband-code-book-62440234549834 (READ-ONLY COPY).

The authoritative reference and input builder live on the scoring server;
editing this copy changes nothing except your own understanding.
"""

import jax, jax.numpy as jnp
import numpy as np

K = 1024
IN_C = 256
OUT_C = 256
B = 16
L = 576

def setup_inputs(seed: int = 0) -> dict:
    key = jax.random.key(seed)
    k1, k2, k3 = jax.random.split(key, 3)
    x = jax.random.normal(k1, (B, L, IN_C), dtype=jnp.float32)
    # nn.Embedding weight with uniform_(-1.5, 1.5), frozen
    keys = jax.random.uniform(k2, (K, IN_C), minval=-1.5, maxval=1.5, dtype=jnp.float32)
    # values parameter: randn
    values = jax.random.normal(k3, (K, OUT_C), dtype=jnp.float32)
    return {"x": x, "keys": keys, "values": values}

def reference(x, keys, values):
    batchsz, lenseq, in_c = x.shape
    flat = x.reshape(batchsz * lenseq, in_c)
    # torch.cdist (p=2 euclidean) between each token and each codebook key
    x_sq = jnp.sum(flat * flat, axis=1, keepdims=True)          # [N, 1]
    k_sq = jnp.sum(keys * keys, axis=1)[None, :]                # [1, K]
    d2 = x_sq - 2.0 * (flat @ keys.T) + k_sq                    # [N, K]
    distances = jnp.sqrt(jnp.maximum(d2, 0.0))
    min_index = jnp.argmin(distances, axis=-1)                  # [N]
    y = jnp.take(values, min_index, axis=0)                     # embedding lookup -> gather
    return y.reshape(batchsz, lenseq, values.shape[-1])

if __name__ == "__main__":
    import jax
    _d = setup_inputs()
    print(jax.jit(kernel)(*tuple(_d.values())))

</pallas_src>

<mosaic_0001>
#map = affine_map<(d0, d1) -> (0, 0)>
#map1 = affine_map<(d0, d1) -> (0)>
module attributes {stable_mosaic.version = 14 : i64} {
  func.func @gather_kernel(%arg0: i32, %arg1: i32, %arg2: memref<1024x256xf32, #tpu.memory_space<hbm>>, %arg3: memref<9216xi32, #tpu.memory_space<hbm>>, %arg4: memref<9216x256xf32, #tpu.memory_space<hbm>>, %arg5: memref<288xi32, #tpu.memory_space<vmem>>, %arg6: memref<2x96x256xf32, #tpu.memory_space<vmem>>, %arg7: memref<2x!tpu.dma_semaphore, #tpu.memory_space<semaphore_mem>>, %arg8: memref<2x!tpu.dma_semaphore, #tpu.memory_space<semaphore_mem>>) attributes {dimension_semantics = [#tpu.dimension_semantics<core_parallel>, #tpu.dimension_semantics<subcore_parallel>], iteration_bounds = array<i64: 2, 16>, scalar_prefetch = 0 : i64, scratch_operands = 4 : i64, tpu.core_type = #tpu.core_type<sc_vector_subcore>, window_params = [{transform_indices = #map}, {transform_indices = #map1}, {transform_indices = #map}]} {
    %mul3A = arith.constant 2 : i32
    %mul3A_0 = arith.muli %arg1, %mul3A : i32
    %add3A = arith.addi %mul3A_0, %arg0 : i32
    %mul3A_1 = arith.constant 288 : i32
    %mul3A_2 = arith.muli %add3A, %mul3A_1 : i32
    "tpu.region"() ({
      %run_scoped3A = tpu.sem_alloc : memref<!tpu.dma_semaphore, #tpu.memory_space<semaphore_mem>>
      %dma_start3A_181 = tpu.memref_slice %arg3[%mul3A_2] : memref<9216xi32, #tpu.memory_space<hbm>> -> memref<288xi32, #tpu.memory_space<hbm>>
      %dma_start3A_182 = tpu.memref_slice %arg3[%mul3A_2] : memref<9216xi32, #tpu.memory_space<hbm>> -> memref<288xi32, #tpu.memory_space<hbm>>
      tpu.enqueue_dma source(%dma_start3A_182 : memref<288xi32, #tpu.memory_space<hbm>>) target(%arg5 : memref<288xi32, #tpu.memory_space<vmem>>) target_semaphore(%run_scoped3A : memref<!tpu.dma_semaphore, #tpu.memory_space<semaphore_mem>>)
      %dma_wait3A_183 = tpu.memref_slice %arg3[%mul3A_2] : memref<9216xi32, #tpu.memory_space<hbm>> -> memref<288xi32, #tpu.memory_space<hbm>>
      %dma_wait3A_184 = tpu.memref_slice %arg3[%mul3A_2] : memref<9216xi32, #tpu.memory_space<hbm>> -> memref<288xi32, #tpu.memory_space<hbm>>
      tpu.wait_dma2 semaphore(%run_scoped3A : memref<!tpu.dma_semaphore, #tpu.memory_space<semaphore_mem>>) src(%dma_wait3A_184 : memref<288xi32, #tpu.memory_space<hbm>>) dst(%arg5 : memref<288xi32, #tpu.memory_space<vmem>>)
      tpu.yield
    }) : () -> ()
    %dma_start3A = arith.constant 0 : i32
    %dma_start3A_3 = arith.constant 0 : i32
    %dma_start3A_4 = arith.constant 0 : i32
    %dma_start3A_5 = arith.constant 0 : i32
    %dma_start3A_6 = tpu.memref_slice %arg6[%dma_start3A, %dma_start3A_4, %dma_start3A_5] : memref<2x96x256xf32, #tpu.memory_space<vmem>> -> memref<1x96x256xf32, #tpu.memory_space<vmem>>
    %dma_start3A_7 = tpu.memref_squeeze %dma_start3A_6 : memref<1x96x256xf32, #tpu.memory_space<vmem>> -> memref<96x256xf32, #tpu.memory_space<vmem>>
    %dma_start3A_8 = arith.constant 0 : i32
    %dma_start3A_9 = tpu.memref_slice %arg5[%dma_start3A_8] : memref<288xi32, #tpu.memory_space<vmem>> -> memref<96xi32, #tpu.memory_space<vmem>>
    %dma_start3A_10 = arith.constant 0 : i32
    %dma_start3A_11 = arith.constant 0 : i32
    %dma_start3A_12 = tpu.memref_slice %arg2[%dma_start3A_10, %dma_start3A_11] : memref<1024x256xf32, #tpu.memory_space<hbm>> -> memref<1024x256xf32, #tpu.memory_space<hbm>>
    %dma_start3A_13 = tpu.memref_slice %arg7[%dma_start3A_3] : memref<2x!tpu.dma_semaphore, #tpu.memory_space<semaphore_mem>> -> memref<1x!tpu.dma_semaphore, #tpu.memory_space<semaphore_mem>>
    %dma_start3A_14 = tpu.memref_squeeze %dma_start3A_13 : memref<1x!tpu.dma_semaphore, #tpu.memory_space<semaphore_mem>> -> memref<!tpu.dma_semaphore, #tpu.memory_space<semaphore_mem>>
    tpu.enqueue_indirect_dma source(%dma_start3A_12 : memref<1024x256xf32, #tpu.memory_space<hbm>>) target(%dma_start3A_7 : memref<96x256xf32, #tpu.memory_space<vmem>>) offsets(%dma_start3A_9 : memref<96xi32, #tpu.memory_space<vmem>>) semaphore(%dma_start3A_14 : memref<!tpu.dma_semaphore, #tpu.memory_space<semaphore_mem>>)
    %dma_start3A_15 = arith.constant 1 : i32
    %dma_start3A_16 = arith.constant 1 : i32
    %dma_start3A_17 = arith.constant 0 : i32
    %dma_start3A_18 = arith.constant 0 : i32
    %dma_start3A_19 = tpu.memref_slice %arg6[%dma_start3A_15, %dma_start3A_17, %dma_start3A_18] : memref<2x96x256xf32, #tpu.memory_space<vmem>> -> memref<1x96x256xf32, #tpu.memory_space<vmem>>
    %dma_start3A_20 = tpu.memref_squeeze %dma_start3A_19 : memref<1x96x256xf32, #tpu.memory_space<vmem>> -> memref<96x256xf32, #tpu.memory_space<vmem>>
    %dma_start3A_21 = arith.constant 96 : i32
    %dma_start3A_22 = tpu.memref_slice %arg5[%dma_start3A_21] : memref<288xi32, #tpu.memory_space<vmem>> -> memref<96xi32, #tpu.memory_space<vmem>>
    %dma_start3A_23 = arith.constant 0 : i32
    %dma_start3A_24 = arith.constant 0 : i32
    %dma_start3A_25 = tpu.memref_slice %arg2[%dma_start3A_23, %dma_start3A_24] : memref<1024x256xf32, #tpu.memory_space<hbm>> -> memref<1024x256xf32, #tpu.memory_space<hbm>>
    %dma_start3A_26 = tpu.memref_slice %arg7[%dma_start3A_16] : memref<2x!tpu.dma_semaphore, #tpu.memory_space<semaphore_mem>> -> memref<1x!tpu.dma_semaphore, #tpu.memory_space<semaphore_mem>>
    %dma_start3A_27 = tpu.memref_squeeze %dma_start3A_26 : memref<1x!tpu.dma_semaphore, #tpu.memory_space<semaphore_mem>> -> memref<!tpu.dma_semaphore, #tpu.memory_space<semaphore_mem>>
    tpu.enqueue_indirect_dma source(%dma_start3A_25 : memref<1024x256xf32, #tpu.memory_space<hbm>>) target(%dma_start3A_20 : memref<96x256xf32, #tpu.memory_space<vmem>>) offsets(%dma_start3A_22 : memref<96xi32, #tpu.memory_space<vmem>>) semaphore(%dma_start3A_27 : memref<!tpu.dma_semaphore, #tpu.memory_space<semaphore_mem>>)
    %dma_wait3A = arith.constant 0 : i32
    %dma_wait3A_28 = arith.constant 0 : i32
    %dma_wait3A_29 = arith.constant 0 : i32
    %dma_wait3A_30 = arith.constant 0 : i32
    %dma_wait3A_31 = tpu.memref_slice %arg6[%dma_wait3A, %dma_wait3A_29, %dma_wait3A_30] : memref<2x96x256xf32, #tpu.memory_space<vmem>> -> memref<1x96x256xf32, #tpu.memory_space<vmem>>
    %dma_wait3A_32 = tpu.memref_squeeze %dma_wait3A_31 : memref<1x96x256xf32, #tpu.memory_space<vmem>> -> memref<96x256xf32, #tpu.memory_space<vmem>>
    %dma_wait3A_33 = arith.constant 0 : i32
    %dma_wait3A_34 = tpu.memref_slice %arg5[%dma_wait3A_33] : memref<288xi32, #tpu.memory_space<vmem>> -> memref<96xi32, #tpu.memory_space<vmem>>
    %dma_wait3A_35 = arith.constant 0 : i32
    %dma_wait3A_36 = arith.constant 0 : i32
    %dma_wait3A_37 = tpu.memref_slice %arg2[%dma_wait3A_35, %dma_wait3A_36] : memref<1024x256xf32, #tpu.memory_space<hbm>> -> memref<1024x256xf32, #tpu.memory_space<hbm>>
    %dma_wait3A_38 = tpu.memref_slice %arg7[%dma_wait3A_28] : memref<2x!tpu.dma_semaphore, #tpu.memory_space<semaphore_mem>> -> memref<1x!tpu.dma_semaphore, #tpu.memory_space<semaphore_mem>>
    %dma_wait3A_39 = tpu.memref_squeeze %dma_wait3A_38 : memref<1x!tpu.dma_semaphore, #tpu.memory_space<semaphore_mem>> -> memref<!tpu.dma_semaphore, #tpu.memory_space<semaphore_mem>>
    tpu.wait_indirect_dma semaphore(%dma_wait3A_39 : memref<!tpu.dma_semaphore, #tpu.memory_space<semaphore_mem>>) src(%dma_wait3A_37 : memref<1024x256xf32, #tpu.memory_space<hbm>>) dst(%dma_wait3A_32 : memref<96x256xf32, #tpu.memory_space<vmem>>)
    %add3A_40 = arith.constant 0 : i32
    %add3A_41 = arith.addi %mul3A_2, %add3A_40 : i32
    %dma_start3A_42 = arith.constant 0 : i32
    %dma_start3A_43 = arith.constant 0 : i32
    %dma_start3A_44 = arith.constant 0 : i32
    %dma_start3A_45 = arith.constant 0 : i32
    %dma_start3A_46 = tpu.memref_slice %arg6[%dma_start3A_42, %dma_start3A_44, %dma_start3A_45] : memref<2x96x256xf32, #tpu.memory_space<vmem>> -> memref<1x96x256xf32, #tpu.memory_space<vmem>>
    %dma_start3A_47 = tpu.memref_squeeze %dma_start3A_46 : memref<1x96x256xf32, #tpu.memory_space<vmem>> -> memref<96x256xf32, #tpu.memory_space<vmem>>
    %dma_start3A_48 = arith.constant 0 : i32
    %dma_start3A_49 = tpu.memref_slice %arg4[%add3A_41, %dma_start3A_48] : memref<9216x256xf32, #tpu.memory_space<hbm>> -> memref<96x256xf32, #tpu.memory_space<hbm>>
    %dma_start3A_50 = tpu.memref_slice %arg8[%dma_start3A_43] : memref<2x!tpu.dma_semaphore, #tpu.memory_space<semaphore_mem>> -> memref<1x!tpu.dma_semaphore, #tpu.memory_space<semaphore_mem>>
    %dma_start3A_51 = tpu.memref_squeeze %dma_start3A_50 : memref<1x!tpu.dma_semaphore, #tpu.memory_space<semaphore_mem>> -> memref<!tpu.dma_semaphore, #tpu.memory_space<semaphore_mem>>
    %dma_start3A_52 = arith.constant 0 : i32
    %dma_start3A_53 = tpu.memref_slice %arg4[%add3A_41, %dma_start3A_52] : memref<9216x256xf32, #tpu.memory_space<hbm>> -> memref<96x256xf32, #tpu.memory_space<hbm>>
    %dma_start3A_54 = arith.constant 0 : i32
    %dma_start3A_55 = arith.constant 0 : i32
    %dma_start3A_56 = tpu.memref_slice %arg6[%dma_start3A_42, %dma_start3A_54, %dma_start3A_55] : memref<2x96x256xf32, #tpu.memory_space<vmem>> -> memref<1x96x256xf32, #tpu.memory_space<vmem>>
    %dma_start3A_57 = tpu.memref_squeeze %dma_start3A_56 : memref<1x96x256xf32, #tpu.memory_space<vmem>> -> memref<96x256xf32, #tpu.memory_space<vmem>>
    tpu.enqueue_dma source(%dma_start3A_57 : memref<96x256xf32, #tpu.memory_space<vmem>>) target(%dma_start3A_53 : memref<96x256xf32, #tpu.memory_space<hbm>>) target_semaphore(%dma_start3A_51 : memref<!tpu.dma_semaphore, #tpu.memory_space<semaphore_mem>>)
    %dma_wait3A_58 = arith.constant 0 : i32
    %dma_wait3A_59 = arith.constant 0 : i32
    %dma_wait3A_60 = arith.constant 0 : i32
    %dma_wait3A_61 = arith.constant 0 : i32
    %dma_wait3A_62 = tpu.memref_slice %arg6[%dma_wait3A_58, %dma_wait3A_60, %dma_wait3A_61] : memref<2x96x256xf32, #tpu.memory_space<vmem>> -> memref<1x96x256xf32, #tpu.memory_space<vmem>>
    %dma_wait3A_63 = tpu.memref_squeeze %dma_wait3A_62 : memref<1x96x256xf32, #tpu.memory_space<vmem>> -> memref<96x256xf32, #tpu.memory_space<vmem>>
    %dma_wait3A_64 = arith.constant 0 : i32
    %dma_wait3A_65 = tpu.memref_slice %arg4[%add3A_41, %dma_wait3A_64] : memref<9216x256xf32, #tpu.memory_space<hbm>> -> memref<96x256xf32, #tpu.memory_space<hbm>>
    %dma_wait3A_66 = tpu.memref_slice %arg8[%dma_wait3A_59] : memref<2x!tpu.dma_semaphore, #tpu.memory_space<semaphore_mem>> -> memref<1x!tpu.dma_semaphore, #tpu.memory_space<semaphore_mem>>
    %dma_wait3A_67 = tpu.memref_squeeze %dma_wait3A_66 : memref<1x!tpu.dma_semaphore, #tpu.memory_space<semaphore_mem>> -> memref<!tpu.dma_semaphore, #tpu.memory_space<semaphore_mem>>
    %dma_wait3A_68 = arith.constant 0 : i32
    %dma_wait3A_69 = tpu.memref_slice %arg4[%add3A_41, %dma_wait3A_68] : memref<9216x256xf32, #tpu.memory_space<hbm>> -> memref<96x256xf32, #tpu.memory_space<hbm>>
    %dma_wait3A_70 = arith.constant 0 : i32
    %dma_wait3A_71 = arith.constant 0 : i32
    %dma_wait3A_72 = tpu.memref_slice %arg6[%dma_wait3A_58, %dma_wait3A_70, %dma_wait3A_71] : memref<2x96x256xf32, #tpu.memory_space<vmem>> -> memref<1x96x256xf32, #tpu.memory_space<vmem>>
    %dma_wait3A_73 = tpu.memref_squeeze %dma_wait3A_72 : memref<1x96x256xf32, #tpu.memory_space<vmem>> -> memref<96x256xf32, #tpu.memory_space<vmem>>
    tpu.wait_dma2 semaphore(%dma_wait3A_67 : memref<!tpu.dma_semaphore, #tpu.memory_space<semaphore_mem>>) src(%dma_wait3A_73 : memref<96x256xf32, #tpu.memory_space<vmem>>) dst(%dma_wait3A_69 : memref<96x256xf32, #tpu.memory_space<hbm>>)
    %dma_start3A_74 = arith.constant 0 : i32
    %dma_start3A_75 = arith.constant 0 : i32
    %dma_start3A_76 = arith.constant 0 : i32
    %dma_start3A_77 = arith.constant 0 : i32
    %dma_start3A_78 = tpu.memref_slice %arg6[%dma_start3A_74, %dma_start3A_76, %dma_start3A_77] : memref<2x96x256xf32, #tpu.memory_space<vmem>> -> memref<1x96x256xf32, #tpu.memory_space<vmem>>
    %dma_start3A_79 = tpu.memref_squeeze %dma_start3A_78 : memref<1x96x256xf32, #tpu.memory_space<vmem>> -> memref<96x256xf32, #tpu.memory_space<vmem>>
    %dma_start3A_80 = arith.constant 192 : i32
    %dma_start3A_81 = tpu.memref_slice %arg5[%dma_start3A_80] : memref<288xi32, #tpu.memory_space<vmem>> -> memref<96xi32, #tpu.memory_space<vmem>>
    %dma_start3A_82 = arith.constant 0 : i32
    %dma_start3A_83 = arith.constant 0 : i32
    %dma_start3A_84 = tpu.memref_slice %arg2[%dma_start3A_82, %dma_start3A_83] : memref<1024x256xf32, #tpu.memory_space<hbm>> -> memref<1024x256xf32, #tpu.memory_space<hbm>>
    %dma_start3A_85 = tpu.memref_slice %arg7[%dma_start3A_75] : memref<2x!tpu.dma_semaphore, #tpu.memory_space<semaphore_mem>> -> memref<1x!tpu.dma_semaphore, #tpu.memory_space<semaphore_mem>>
    %dma_start3A_86 = tpu.memref_squeeze %dma_start3A_85 : memref<1x!tpu.dma_semaphore, #tpu.memory_space<semaphore_mem>> -> memref<!tpu.dma_semaphore, #tpu.memory_space<semaphore_mem>>
    tpu.enqueue_indirect_dma source(%dma_start3A_84 : memref<1024x256xf32, #tpu.memory_space<hbm>>) target(%dma_start3A_79 : memref<96x256xf32, #tpu.memory_space<vmem>>) offsets(%dma_start3A_81 : memref<96xi32, #tpu.memory_space<vmem>>) semaphore(%dma_start3A_86 : memref<!tpu.dma_semaphore, #tpu.memory_space<semaphore_mem>>)
    %dma_wait3A_87 = arith.constant 1 : i32
    %dma_wait3A_88 = arith.constant 1 : i32
    %dma_wait3A_89 = arith.constant 0 : i32
    %dma_wait3A_90 = arith.constant 0 : i32
    %dma_wait3A_91 = tpu.memref_slice %arg6[%dma_wait3A_87, %dma_wait3A_89, %dma_wait3A_90] : memref<2x96x256xf32, #tpu.memory_space<vmem>> -> memref<1x96x256xf32, #tpu.memory_space<vmem>>
    %dma_wait3A_92 = tpu.memref_squeeze %dma_wait3A_91 : memref<1x96x256xf32, #tpu.memory_space<vmem>> -> memref<96x256xf32, #tpu.memory_space<vmem>>
    %dma_wait3A_93 = arith.constant 96 : i32
    %dma_wait3A_94 = tpu.memref_slice %arg5[%dma_wait3A_93] : memref<288xi32, #tpu.memory_space<vmem>> -> memref<96xi32, #tpu.memory_space<vmem>>
    %dma_wait3A_95 = arith.constant 0 : i32
    %dma_wait3A_96 = arith.constant 0 : i32
    %dma_wait3A_97 = tpu.memref_slice %arg2[%dma_wait3A_95, %dma_wait3A_96] : memref<1024x256xf32, #tpu.memory_space<hbm>> -> memref<1024x256xf32, #tpu.memory_space<hbm>>
    %dma_wait3A_98 = tpu.memref_slice %arg7[%dma_wait3A_88] : memref<2x!tpu.dma_semaphore, #tpu.memory_space<semaphore_mem>> -> memref<1x!tpu.dma_semaphore, #tpu.memory_space<semaphore_mem>>
    %dma_wait3A_99 = tpu.memref_squeeze %dma_wait3A_98 : memref<1x!tpu.dma_semaphore, #tpu.memory_space<semaphore_mem>> -> memref<!tpu.dma_semaphore, #tpu.memory_space<semaphore_mem>>
    tpu.wait_indirect_dma semaphore(%dma_wait3A_99 : memref<!tpu.dma_semaphore, #tpu.memory_space<semaphore_mem>>) src(%dma_wait3A_97 : memref<1024x256xf32, #tpu.memory_space<hbm>>) dst(%dma_wait3A_92 : memref<96x256xf32, #tpu.memory_space<vmem>>)
    %add3A_100 = arith.constant 96 : i32
    %add3A_101 = arith.addi %mul3A_2, %add3A_100 : i32
    %dma_start3A_102 = arith.constant 1 : i32
    %dma_start3A_103 = arith.constant 1 : i32
    %dma_start3A_104 = arith.constant 0 : i32
    %dma_start3A_105 = arith.constant 0 : i32
    %dma_start3A_106 = tpu.memref_slice %arg6[%dma_start3A_102, %dma_start3A_104, %dma_start3A_105] : memref<2x96x256xf32, #tpu.memory_space<vmem>> -> memref<1x96x256xf32, #tpu.memory_space<vmem>>
    %dma_start3A_107 = tpu.memref_squeeze %dma_start3A_106 : memref<1x96x256xf32, #tpu.memory_space<vmem>> -> memref<96x256xf32, #tpu.memory_space<vmem>>
    %dma_start3A_108 = arith.constant 0 : i32
    %dma_start3A_109 = tpu.memref_slice %arg4[%add3A_101, %dma_start3A_108] : memref<9216x256xf32, #tpu.memory_space<hbm>> -> memref<96x256xf32, #tpu.memory_space<hbm>>
    %dma_start3A_110 = tpu.memref_slice %arg8[%dma_start3A_103] : memref<2x!tpu.dma_semaphore, #tpu.memory_space<semaphore_mem>> -> memref<1x!tpu.dma_semaphore, #tpu.memory_space<semaphore_mem>>
    %dma_start3A_111 = tpu.memref_squeeze %dma_start3A_110 : memref<1x!tpu.dma_semaphore, #tpu.memory_space<semaphore_mem>> -> memref<!tpu.dma_semaphore, #tpu.memory_space<semaphore_mem>>
    %dma_start3A_112 = arith.constant 0 : i32
    %dma_start3A_113 = tpu.memref_slice %arg4[%add3A_101, %dma_start3A_112] : memref<9216x256xf32, #tpu.memory_space<hbm>> -> memref<96x256xf32, #tpu.memory_space<hbm>>
    %dma_start3A_114 = arith.constant 0 : i32
    %dma_start3A_115 = arith.constant 0 : i32
    %dma_start3A_116 = tpu.memref_slice %arg6[%dma_start3A_102, %dma_start3A_114, %dma_start3A_115] : memref<2x96x256xf32, #tpu.memory_space<vmem>> -> memref<1x96x256xf32, #tpu.memory_space<vmem>>
    %dma_start3A_117 = tpu.memref_squeeze %dma_start3A_116 : memref<1x96x256xf32, #tpu.memory_space<vmem>> -> memref<96x256xf32, #tpu.memory_space<vmem>>
    tpu.enqueue_dma source(%dma_start3A_117 : memref<96x256xf32, #tpu.memory_space<vmem>>) target(%dma_start3A_113 : memref<96x256xf32, #tpu.memory_space<hbm>>) target_semaphore(%dma_start3A_111 : memref<!tpu.dma_semaphore, #tpu.memory_space<semaphore_mem>>)
    %dma_wait3A_118 = arith.constant 0 : i32
    %dma_wait3A_119 = arith.constant 0 : i32
    %dma_wait3A_120 = arith.constant 0 : i32
    %dma_wait3A_121 = arith.constant 0 : i32
    %dma_wait3A_122 = tpu.memref_slice %arg6[%dma_wait3A_118, %dma_wait3A_120, %dma_wait3A_121] : memref<2x96x256xf32, #tpu.memory_space<vmem>> -> memref<1x96x256xf32, #tpu.memory_space<vmem>>
    %dma_wait3A_123 = tpu.memref_squeeze %dma_wait3A_122 : memref<1x96x256xf32, #tpu.memory_space<vmem>> -> memref<96x256xf32, #tpu.memory_space<vmem>>
    %dma_wait3A_124 = arith.constant 192 : i32
    %dma_wait3A_125 = tpu.memref_slice %arg5[%dma_wait3A_124] : memref<288xi32, #tpu.memory_space<vmem>> -> memref<96xi32, #tpu.memory_space<vmem>>
    %dma_wait3A_126 = arith.constant 0 : i32
    %dma_wait3A_127 = arith.constant 0 : i32
    %dma_wait3A_128 = tpu.memref_slice %arg2[%dma_wait3A_126, %dma_wait3A_127] : memref<1024x256xf32, #tpu.memory_space<hbm>> -> memref<1024x256xf32, #tpu.memory_space<hbm>>
    %dma_wait3A_129 = tpu.memref_slice %arg7[%dma_wait3A_119] : memref<2x!tpu.dma_semaphore, #tpu.memory_space<semaphore_mem>> -> memref<1x!tpu.dma_semaphore, #tpu.memory_space<semaphore_mem>>
    %dma_wait3A_130 = tpu.memref_squeeze %dma_wait3A_129 : memref<1x!tpu.dma_semaphore, #tpu.memory_space<semaphore_mem>> -> memref<!tpu.dma_semaphore, #tpu.memory_space<semaphore_mem>>
    tpu.wait_indirect_dma semaphore(%dma_wait3A_130 : memref<!tpu.dma_semaphore, #tpu.memory_space<semaphore_mem>>) src(%dma_wait3A_128 : memref<1024x256xf32, #tpu.memory_space<hbm>>) dst(%dma_wait3A_123 : memref<96x256xf32, #tpu.memory_space<vmem>>)
    %add3A_131 = arith.constant 192 : i32
    %add3A_132 = arith.addi %mul3A_2, %add3A_131 : i32
    %dma_start3A_133 = arith.constant 0 : i32
    %dma_start3A_134 = arith.constant 0 : i32
    %dma_start3A_135 = arith.constant 0 : i32
    %dma_start3A_136 = arith.constant 0 : i32
    %dma_start3A_137 = tpu.memref_slice %arg6[%dma_start3A_133, %dma_start3A_135, %dma_start3A_136] : memref<2x96x256xf32, #tpu.memory_space<vmem>> -> memref<1x96x256xf32, #tpu.memory_space<vmem>>
    %dma_start3A_138 = tpu.memref_squeeze %dma_start3A_137 : memref<1x96x256xf32, #tpu.memory_space<vmem>> -> memref<96x256xf32, #tpu.memory_space<vmem>>
    %dma_start3A_139 = arith.constant 0 : i32
    %dma_start3A_140 = tpu.memref_slice %arg4[%add3A_132, %dma_start3A_139] : memref<9216x256xf32, #tpu.memory_space<hbm>> -> memref<96x256xf32, #tpu.memory_space<hbm>>
    %dma_start3A_141 = tpu.memref_slice %arg8[%dma_start3A_134] : memref<2x!tpu.dma_semaphore, #tpu.memory_space<semaphore_mem>> -> memref<1x!tpu.dma_semaphore, #tpu.memory_space<semaphore_mem>>
    %dma_start3A_142 = tpu.memref_squeeze %dma_start3A_141 : memref<1x!tpu.dma_semaphore, #tpu.memory_space<semaphore_mem>> -> memref<!tpu.dma_semaphore, #tpu.memory_space<semaphore_mem>>
    %dma_start3A_143 = arith.constant 0 : i32
    %dma_start3A_144 = tpu.memref_slice %arg4[%add3A_132, %dma_start3A_143] : memref<9216x256xf32, #tpu.memory_space<hbm>> -> memref<96x256xf32, #tpu.memory_space<hbm>>
    %dma_start3A_145 = arith.constant 0 : i32
    %dma_start3A_146 = arith.constant 0 : i32
    %dma_start3A_147 = tpu.memref_slice %arg6[%dma_start3A_133, %dma_start3A_145, %dma_start3A_146] : memref<2x96x256xf32, #tpu.memory_space<vmem>> -> memref<1x96x256xf32, #tpu.memory_space<vmem>>
    %dma_start3A_148 = tpu.memref_squeeze %dma_start3A_147 : memref<1x96x256xf32, #tpu.memory_space<vmem>> -> memref<96x256xf32, #tpu.memory_space<vmem>>
    tpu.enqueue_dma source(%dma_start3A_148 : memref<96x256xf32, #tpu.memory_space<vmem>>) target(%dma_start3A_144 : memref<96x256xf32, #tpu.memory_space<hbm>>) target_semaphore(%dma_start3A_142 : memref<!tpu.dma_semaphore, #tpu.memory_space<semaphore_mem>>)
    %dma_wait3A_149 = arith.constant 1 : i32
    %dma_wait3A_150 = arith.constant 1 : i32
    %dma_wait3A_151 = arith.constant 0 : i32
    %dma_wait3A_152 = arith.constant 0 : i32
    %dma_wait3A_153 = tpu.memref_slice %arg6[%dma_wait3A_149, %dma_wait3A_151, %dma_wait3A_152] : memref<2x96x256xf32, #tpu.memory_space<vmem>> -> memref<1x96x256xf32, #tpu.memory_space<vmem>>
    %dma_wait3A_154 = tpu.memref_squeeze %dma_wait3A_153 : memref<1x96x256xf32, #tpu.memory_space<vmem>> -> memref<96x256xf32, #tpu.memory_space<vmem>>
    %dma_wait3A_155 = arith.constant 0 : i32
    %dma_wait3A_156 = tpu.memref_slice %arg4[%add3A_101, %dma_wait3A_155] : memref<9216x256xf32, #tpu.memory_space<hbm>> -> memref<96x256xf32, #tpu.memory_space<hbm>>
    %dma_wait3A_157 = tpu.memref_slice %arg8[%dma_wait3A_150] : memref<2x!tpu.dma_semaphore, #tpu.memory_space<semaphore_mem>> -> memref<1x!tpu.dma_semaphore, #tpu.memory_space<semaphore_mem>>
    %dma_wait3A_158 = tpu.memref_squeeze %dma_wait3A_157 : memref<1x!tpu.dma_semaphore, #tpu.memory_space<semaphore_mem>> -> memref<!tpu.dma_semaphore, #tpu.memory_space<semaphore_mem>>
    %dma_wait3A_159 = arith.constant 0 : i32
    %dma_wait3A_160 = tpu.memref_slice %arg4[%add3A_101, %dma_wait3A_159] : memref<9216x256xf32, #tpu.memory_space<hbm>> -> memref<96x256xf32, #tpu.memory_space<hbm>>
    %dma_wait3A_161 = arith.constant 0 : i32
    %dma_wait3A_162 = arith.constant 0 : i32
    %dma_wait3A_163 = tpu.memref_slice %arg6[%dma_wait3A_149, %dma_wait3A_161, %dma_wait3A_162] : memref<2x96x256xf32, #tpu.memory_space<vmem>> -> memref<1x96x256xf32, #tpu.memory_space<vmem>>
    %dma_wait3A_164 = tpu.memref_squeeze %dma_wait3A_163 : memref<1x96x256xf32, #tpu.memory_space<vmem>> -> memref<96x256xf32, #tpu.memory_space<vmem>>
    tpu.wait_dma2 semaphore(%dma_wait3A_158 : memref<!tpu.dma_semaphore, #tpu.memory_space<semaphore_mem>>) src(%dma_wait3A_164 : memref<96x256xf32, #tpu.memory_space<vmem>>) dst(%dma_wait3A_160 : memref<96x256xf32, #tpu.memory_space<hbm>>)
    %dma_wait3A_165 = arith.constant 0 : i32
    %dma_wait3A_166 = arith.constant 0 : i32
    %dma_wait3A_167 = arith.constant 0 : i32
    %dma_wait3A_168 = arith.constant 0 : i32
    %dma_wait3A_169 = tpu.memref_slice %arg6[%dma_wait3A_165, %dma_wait3A_167, %dma_wait3A_168] : memref<2x96x256xf32, #tpu.memory_space<vmem>> -> memref<1x96x256xf32, #tpu.memory_space<vmem>>
    %dma_wait3A_170 = tpu.memref_squeeze %dma_wait3A_169 : memref<1x96x256xf32, #tpu.memory_space<vmem>> -> memref<96x256xf32, #tpu.memory_space<vmem>>
    %dma_wait3A_171 = arith.constant 0 : i32
    %dma_wait3A_172 = tpu.memref_slice %arg4[%add3A_132, %dma_wait3A_171] : memref<9216x256xf32, #tpu.memory_space<hbm>> -> memref<96x256xf32, #tpu.memory_space<hbm>>
    %dma_wait3A_173 = tpu.memref_slice %arg8[%dma_wait3A_166] : memref<2x!tpu.dma_semaphore, #tpu.memory_space<semaphore_mem>> -> memref<1x!tpu.dma_semaphore, #tpu.memory_space<semaphore_mem>>
    %dma_wait3A_174 = tpu.memref_squeeze %dma_wait3A_173 : memref<1x!tpu.dma_semaphore, #tpu.memory_space<semaphore_mem>> -> memref<!tpu.dma_semaphore, #tpu.memory_space<semaphore_mem>>
    %dma_wait3A_175 = arith.constant 0 : i32
    %dma_wait3A_176 = tpu.memref_slice %arg4[%add3A_132, %dma_wait3A_175] : memref<9216x256xf32, #tpu.memory_space<hbm>> -> memref<96x256xf32, #tpu.memory_space<hbm>>
    %dma_wait3A_177 = arith.constant 0 : i32
    %dma_wait3A_178 = arith.constant 0 : i32
    %dma_wait3A_179 = tpu.memref_slice %arg6[%dma_wait3A_165, %dma_wait3A_177, %dma_wait3A_178] : memref<2x96x256xf32, #tpu.memory_space<vmem>> -> memref<1x96x256xf32, #tpu.memory_space<vmem>>
    %dma_wait3A_180 = tpu.memref_squeeze %dma_wait3A_179 : memref<1x96x256xf32, #tpu.memory_space<vmem>> -> memref<96x256xf32, #tpu.memory_space<vmem>>
    tpu.wait_dma2 semaphore(%dma_wait3A_174 : memref<!tpu.dma_semaphore, #tpu.memory_space<semaphore_mem>>) src(%dma_wait3A_180 : memref<96x256xf32, #tpu.memory_space<vmem>>) dst(%dma_wait3A_176 : memref<96x256xf32, #tpu.memory_space<hbm>>)
    return
  }
}

module attributes {stable_mosaic.version = 14 : i64} {
  func.func @_argmin_body(%arg0: i32, %arg1: memref<1024xf32, #tpu.memory_space<vmem>>, %arg2: memref<1024x256xf32, #tpu.memory_space<vmem>>, %arg3: memref<1024x256xf32, #tpu.memory_space<vmem>>, %arg4: memref<1x1024xf32, #tpu.memory_space<vmem>>, %arg5: memref<1024xi32, #tpu.memory_space<vmem>>) attributes {dimension_semantics = [#tpu.dimension_semantics<arbitrary>], iteration_bounds = array<i64: 9>, scalar_prefetch = 0 : i64, scratch_operands = 0 : i64, tpu.core_type = #tpu.core_type<tc>, window_params = [{transform_indices = @transform_0, window_bounds = array<i64: 1024>}, {transform_indices = @transform_1, window_bounds = array<i64: 1024, 256>}, {pipeline_mode = #tpu.pipeline_mode<synchronous>, transform_indices = @transform_2, window_bounds = array<i64: 1024, 256>}, {pipeline_mode = #tpu.pipeline_mode<synchronous>, transform_indices = @transform_3, window_bounds = array<i64: 1, 1024>}, {transform_indices = @transform_4, window_bounds = array<i64: 1024>}]} {
    %get3A = arith.constant 0 : index
    %get3A_0 = arith.constant 0 : index
    %get3A_1 = vector.load %arg2[%get3A, %get3A_0] : memref<1024x256xf32, #tpu.memory_space<vmem>>, vector<1024x256xf32>
    %get3A_2 = arith.constant 0 : index
    %get3A_3 = arith.constant 0 : index
    %get3A_4 = vector.load %arg3[%get3A_2, %get3A_3] : memref<1024x256xf32, #tpu.memory_space<vmem>>, vector<1024x256xf32>
    %dot_general3A = arith.constant dense<0.000000e+00> : vector<1024x1024xf32>
    %dot_general3A_5 = tpu.matmul %get3A_1, %get3A_4, %dot_general3A {dimension_numbers = #tpu.dot_dimension_numbers<[1], [1], [0], [0], [0, 0, 1, 0], [], []>, transpose_lhs_hint = false} : vector<1024x256xf32>, vector<1024x256xf32>, vector<1024x1024xf32> -> vector<1024x1024xf32>
    %get3A_6 = arith.constant 0 : index
    %get3A_7 = vector.load %arg1[%get3A_6] : memref<1024xf32, #tpu.memory_space<vmem>>, vector<1024xf32>
    %reshape3A = vector.shape_cast %get3A_7 : vector<1024xf32> to vector<1024x1xf32>
    %add3A = vector.broadcast %reshape3A : vector<1024x1xf32> to vector<1024x1024xf32>
    %add3A_8 = arith.addf %add3A, %dot_general3A_5 : vector<1024x1024xf32>
    %get3A_9 = arith.constant 0 : index
    %get3A_10 = arith.constant 0 : index
    %get3A_11 = vector.load %arg4[%get3A_9, %get3A_10] : memref<1x1024xf32, #tpu.memory_space<vmem>>, vector<1x1024xf32>
    %add3A_12 = vector.broadcast %get3A_11 : vector<1x1024xf32> to vector<1024x1024xf32>
    %add3A_13 = arith.addf %add3A_8, %add3A_12 : vector<1024x1024xf32>
    %sqrt3A = math.sqrt %add3A_13 : vector<1024x1024xf32>
    %argmin3A = tpu.reduce_index %sqrt3A {axis = 1 : i32, kind = #tpu.reduction_kind<arg_min>} : vector<1024x1024xf32> -> vector<1024xi32>
    %swap3A = arith.constant 0 : index
    %swap3A_14 = vector.load %arg5[%swap3A] : memref<1024xi32, #tpu.memory_space<vmem>>, vector<1024xi32>
    tpu.vector_store %arg5[%swap3A], %argmin3A {strides = array<i32>} : memref<1024xi32, #tpu.memory_space<vmem>>, vector<1024xi32>,
    return
  }
  func.func @transform_0(%arg0: i32) -> i32 {
    %c0_i32 = arith.constant 0 : i32
    return %arg0 : i32
  }
  func.func @transform_1(%arg0: i32) -> (i32, i32) {
    %c0_i32 = arith.constant 0 : i32
    %c0_i32_0 = arith.constant 0 : i32
    return %arg0, %c0_i32 : i32, i32
  }
  func.func @transform_2(%arg0: i32) -> (i32, i32) {
    %c0_i32 = arith.constant 0 : i32
    %c0_i32_0 = arith.constant 0 : i32
    %c0_i32_1 = arith.constant 0 : i32
    return %c0_i32, %c0_i32_0 : i32, i32
  }
  func.func @transform_3(%arg0: i32) -> (i32, i32) {
    %c0_i32 = arith.constant 0 : i32
    %c0_i32_0 = arith.constant 0 : i32
    %c0_i32_1 = arith.constant 0 : i32
    return %c0_i32, %c0_i32_0 : i32, i32
  }
  func.func @transform_4(%arg0: i32) -> i32 {
    %c0_i32 = arith.constant 0 : i32
    return %arg0 : i32
  }
}

</mosaic_0001>

<sc_bundles>
// kernel: kernel.4.cloned.1.call-start
scs
__scs_entry_jumppad:
0x0: {  	(pc) =	sbr.rel $0x88, $3  }
0x1: {  	(tag) =	ssettag $0x0;
	lr =	simm.s32 $0x1  }
0x2: {  	[smem:$0x3F9E] =	sst lr;
	_ =	strace $0xD0000000  }
0x3: {  	_ = 	snop  }
0x4: {  	_ = 	snop  }
0x5: {  	_ = 	snop  }
0x6: {  	_ = 	snop  }
0x7: {  	_ = 	snop  }
__scs_overlays_trampoline_lowered:
0x8: {  	[smem:$0x3FAD] =	sst s0  }
0x9: {  	[smem:$0x3FAE] =	sst s1  }
0xa: {  	[smem:$0x3FAF] =	sst s2  }
0xb: {  	[smem:$0x3FB0] =	sst s3  }
0xc: {  	[smem:$0x3FB1] =	sst s4  }
0xd: {  	[smem:$0x3FB2] =	sst s5  }
0xe: {  	[smem:$0x3FB3] =	sst s6  }
0xf: {  	[smem:$0x3FB4] =	sst s7  }
0x10: {  	[smem:$0x3FB5] =	sst s8  }
0x11: {  	[smem:$0x3FB6] =	sst s9;
	s0 =	simm.s32 @!p0 $0x0  }
0x12: {  	s1 =	sld [smem:$0x3F9C];
	s0 =	simm.s32 @p0 $0x1  }
0x13: {  	[smem:$0x3FB7] =	sst s0;
	s0 =	simm.s32 @!p1 $0x0  }
0x14: {  	s2 =	sld [smem:$0x3F9B];
	s0 =	simm.s32 @p1 $0x1  }
0x15: {  	[smem:$0x3FB8] =	sst s0;
	s0 =	simm.s32 @!p2 $0x0  }
0x16: {  	s3 =	sld [smem:$0x3FDB];
	s0 =	simm.s32 @p2 $0x1  }
0x17: {  	s4 =	simm.s32 $0x1BF5;
	[smem:$0x3FBA] =	sst s0  }
0x18: {  	s0 =	sld [smem:$0x3F9D];
	_ =	swait.ge [sflag:s4], $0x0  }
0x19: {  	s7 =	sld [smem:$0x3F9E]  }
0x1a: {  	s8 =	sadd.s32 $0xFFFFE003, lr  }
0x1b: {  	s9 =	sadd.s32 $0xFFFFFEF7, lr;
	s5 =	simm.s32 $0xFFFFFFFF;
	p2 =	slt.u32 s8, $0xFFFFF086  }
0x1c: {  	p1 =	slt.u32 s9, $0xF7A;
	s5 =	simm.s32 @!p2 $0x0  }
0x1d: {  	s5 =	simm.s32 @p1 $0x1;
	p0 =	seq.s32 s7, s2  }
0x1e: {  	s7 =	smul.u32 @!p0 $0xF7A, s2;
	p2 =	seq.s32 @!p0 s5, $0x0  }
0x1f: {  	s9 =	smul.u32 $0xF7A, s1;
	s8 =	simm.s32 @!p0 $0x1BF5;
	p2 =	por !p2, p0  }
0x20: {  	[sflag:s8] =	ssyncset.s32 @!p0 $0xFFFFF086;
	s6 =	sadd.s32 @!p0 s3, s7;
	s7 =	simm.s32 @!p0 $0x108  }
0x21: {  	s3 =	sadd.s32 s3, s9;
	s6 =	sadd.s32 @!p0 $0x88, s6;
	s7 =	simm.s32 @p2 $0x1082  }
0x22: {  	[simem:s7], [sflag:s8] =	dma.local @!p0 [hbm:s6], $0xF7A  }
0x23: {  	s9 =	sor.u32 $0xD0000000, s2;
	s6 =	simm.s32 $0x108;
	_ =	swait.ge @!p0 [sflag:s8], $0x0  }
0x24: {  	s3 =	sadd.s32 $0x88, s3;
	s6 =	simm.s32 @!p1 $0x1082;
	[sflag:s4] =	ssyncset.s32 $0xFFFFF086  }
0x25: {  	[simem:s6], [sflag:s4] =	dma.local [hbm:s3], $0xF7A  }
0x26: {  	[smem:$0x3F9E] =	sst s1;
	(tag) =	ssettag s2;
	_ =	strace s9  }
0x27: {  	s1 =	sld [smem:$0x3FAE]  }
0x28: {  	s2 =	sld [smem:$0x3FAF]  }
0x29: {  	s4 =	sld [smem:$0x3FB1]  }
0x2a: {  	p0 =	seq.s32 s5, $0x0;
	s5 =	sld [smem:$0x3FB2]  }
0x2b: {  	s6 =	sld [smem:$0x3FB3]  }
0x2c: {  	s7 =	sld [smem:$0x3FB4]  }
0x2d: {  	s3 =	simm.s32 $0x108;
	s8 =	sld [smem:$0x3FB5]  }
0x2e: {  	s3 =	simm.s32 @!p0 $0x1082;
	s9 =	sld [smem:$0x3FB6]  }
0x2f: {  	lr =	sadd.s32 s0, s3;
	s0 =	sld [smem:$0x3FAD]  }
0x30: {  	s3 =	sld [smem:$0x3FB0]  }
0x31: {  	[smem:$0x3FB9] =	sst s10  }
0x32: {  	s10 =	sld [smem:$0x3FB7];
	_ =	sdelay $0x3  }
0x33: {  	p0 =	seq.s32 s10, $0x1;
	s10 =	sld [smem:$0x3FB9];
	_ =	sdelay $0x3  }
0x34: {  	[smem:$0x3FB9] =	sst s10  }
0x35: {  	s10 =	sld [smem:$0x3FB8];
	_ =	sdelay $0x3  }
0x36: {  	p1 =	seq.s32 s10, $0x1;
	s10 =	sld [smem:$0x3FB9];
	_ =	sdelay $0x3  }
0x37: {  	[smem:$0x3FB9] =	sst s10  }
0x38: {  	s10 =	sld [smem:$0x3FBA]  }
0x39: {  	_ = 	snop;
	(pc) =	sbr.ind lr, $3  }
0x3a: {  	_ = 	snop  }
0x3b: {  	_ = 	snop  }
0x3c: {  	p2 =	seq.s32 s10, $0x1;
	s10 =	sld [smem:$0x3FB9]  }
0x3d: {  	_ =	shalt  }
0x3e: {  	_ =	shalt  }
0x3f: {  	_ =	shalt  }
0x40: {  	_ =	shalt  }
0x41: {  	_ =	shalt  }
0x42: {  	_ =	shalt  }
0x43: {  	_ =	shalt  }
0x44: {  	_ =	shalt  }
0x45: {  	_ =	shalt  }
0x46: {  	_ =	shalt  }
0x47: {  	_ =	shalt  }
0x48: {  	_ =	shalt  }
0x49: {  	_ =	shalt  }
0x4a: {  	_ =	shalt  }
0x4b: {  	_ =	shalt  }
0x4c: {  	_ =	shalt  }
0x4d: {  	_ =	shalt  }
0x4e: {  	_ =	shalt  }
0x4f: {  	_ =	shalt  }
0x50: {  	_ =	shalt  }
0x51: {  	_ =	shalt  }
0x52: {  	_ =	shalt  }
0x53: {  	_ =	shalt  }
0x54: {  	_ =	shalt  }
0x55: {  	_ =	shalt  }
0x56: {  	_ =	shalt  }
0x57: {  	_ =	shalt  }
0x58: {  	_ =	shalt  }
0x59: {  	_ =	shalt  }
0x5a: {  	_ =	shalt  }
0x5b: {  	_ =	shalt  }
0x5c: {  	_ =	shalt  }
0x5d: {  	_ =	shalt  }
0x5e: {  	_ =	shalt  }
0x5f: {  	_ =	shalt  }
0x60: {  	_ =	shalt  }
0x61: {  	_ =	shalt  }
0x62: {  	_ =	shalt  }
0x63: {  	_ =	shalt  }
0x64: {  	_ =	shalt  }
0x65: {  	_ =	shalt  }
0x66: {  	_ =	shalt  }
0x67: {  	_ =	shalt  }
0x68: {  	_ =	shalt  }
0x69: {  	_ =	shalt  }
0x6a: {  	_ =	shalt  }
0x6b: {  	_ =	shalt  }
0x6c: {  	_ =	shalt  }
0x6d: {  	_ =	shalt  }
0x6e: {  	_ =	shalt  }
0x6f: {  	_ =	shalt  }
0x70: {  	_ =	shalt  }
0x71: {  	_ =	shalt  }
0x72: {  	_ =	shalt  }
0x73: {  	_ =	shalt  }
0x74: {  	_ =	shalt  }
0x75: {  	_ =	shalt  }
0x76: {  	_ =	shalt  }
0x77: {  	_ =	shalt  }
0x78: {  	_ =	shalt  }
0x79: {  	_ =	shalt  }
0x7a: {  	_ =	shalt  }
0x7b: {  	_ =	shalt  }
0x7c: {  	_ =	shalt  }
0x7d: {  	_ =	shalt  }
0x7e: {  	_ =	shalt  }
0x7f: {  	_ =	shalt  }
0x80: {  	_ =	shalt  }
0x81: {  	_ =	shalt  }
0x82: {  	_ =	shalt  }
0x83: {  	_ =	shalt  }
0x84: {  	_ =	shalt  }
0x85: {  	_ =	shalt  }
0x86: {  	_ =	shalt  }
0x87: {  	_ =	shalt  }
.Lfunc_end0:
.L_simem_size_0:
called_computation_lowered:
.L_overlay_start_0:
0x88: {  	s2 =	sld [smem:$0x3FD9]  }
0x89: {  	s3 =	sld [smem:$0x3FFE];
	_ =	sdelay $0x1  }
0x8a: {  	s1 =	srdreg.scid  }
0x8b: {  	s0 =	sand.u32 $0x1, s1  }
0x8c: {  	s17 =	sshll.u32 s0, $0xA;
	s2 =	sadd.s32 s3, s2  }
0x8d: {  	s2 =	sadd.s32 s2, s17  }
0x8e: {  	[smem:$0x3FC5] =	sst s2  }
0x8f: {  	_ = 	snop  }
0x90: {  	s2 =	sld [smem:$0x3FC7]  }
0x91: {  	s18 =	sld [smem:$0x3FD0];
	(tm) =	ssettm $0x1  }
0x92: {  	s4 =	sld [smem:$0x3FFB];
	_ =	sdelay $0x3  }
0x93: {  	_ =	strace s4  }
0x94: {  	s4 =	sld [smem:$0x3FFC];
	_ =	sdelay $0x3  }
0x95: {  	_ =	strace s4  }
0x96: {  	s4 =	sld [smem:$0x3FFD];
	_ =	sdelay $0x3  }
0x97: {  	_ =	strace s4  }
0x98: {  	_ =	strace $0x8FFFFFFF  }
0x99: {  	s19 =	sld [smem:$0x3FDB];
	_ =	sdelay $0x1  }
0x9a: {  	s5 =	simm.s32 $_scs_section_size  }
0x9b: {  	s6 =	simm.s32 $_size__tile_overlayer_lowered;
	s7 =	simm.s32 $_tile_overlayer_lowered  }
0x9c: {  	s22 =	simm.s32 $0x1BFF;
	s21 =	sshll.u32 s7, $0x1;
	s4 =	sadd.s32 s5, s19  }
0x9d: {  	s8 =	simm.s32 $0x0;
	s20 =	sshll.u32 s6, $0x1;
	s6 =	sadd.s32 s21, s4  }
0x9e: {  	[timem:s8], [sflag:s22] =	dma.local [hbm:s6], s20  }
0x9f: {  	_ =	swait.ge [sflag:s22], s20  }
0xa0: {  	s5 =	ssub.s32 $0x0, s20;
	[sflag:s22] =	ssyncset.done $0x0  }
0xa1: {  	[sflag:s22] =	ssyncadd.s32 s5;
	_ =	sdelay $0x1  }
0xa2: {  	s23 =	simm.s32 $0x1B8B  }
0xa3: {  	_ =	swait.ge [sflag:s23], $0x1  }
0xa4: {  	[sflag:s23] =	ssyncset.done $0x0  }
0xa5: {  	s25 =	simm.s32 $0x1B8E;
	s24 =	sld [smem:$0x3FFE];
	[sflag:s23] =	ssyncadd.s32 $0xFFFFFFFF  }
0xa6: {  	s26 =	simm.s32 $execute0_lowered;
	[smem:$0x3FD2] =	sst s25  }
0xa7: {  	s6 =	sshll.u32 s26, $0x1;
	_ =	strace $0x80000046;
	[dreg:$0x1] =	wrdreg $0xFFFFFFFF  }
0xa8: {  	s28 =	simm.s32 $_size_execute0_lowered;
	s4 =	sadd.s32 s4, s6;
	[dreg:$0x0] =	wrdreg $0x0  }
0xa9: {  	s6 =	sshll.u32 s28, $0x1;
	[dreg:$0x2] =	wrdreg s4  }
0xaa: {  	[dreg:$0x3] =	wrdreg s6  }
0xab: {  	[dreg:$0x4] =	wrdreg $0xC0  }
0xac: {  	_ =	task [dreg:s8], $0x5FFFF  }
0xad: {  	[dreg:$0x1] =	wrdreg $0xFFFFFFFF  }
0xae: {  	[dreg:$0x0] =	wrdreg $0x60  }
0xaf: {  	[dreg:$0x2] =	wrdreg s2  }
0xb0: {  	[dreg:$0x3] =	wrdreg s24  }
0xb1: {  	[dreg:$0x4] =	wrdreg s18  }
0xb2: {  	[dreg:$0x5] =	wrdreg $0x9  }
0xb3: {  	_ =	task.clear_ibuf [dreg:s8], $0x6FFFF;
	_ =	strace $0x90000046  }
0xb4: {  	s29 =	simm.s32 $0x9;
	_ =	strace $0x80000048  }
0xb5: {  	_ =	swait.ge [sflag:s29], $0x1  }
0xb6: {  	[sflag:s29] =	ssyncadd.s32 $0xFFFFFFFF  }
0xb7: {  	_ =	strace $0x90000048  }
0xb8: {  	_ =	sfence  }
0xb9: {  	s30 =	sld [smem:$0x0];
	_ =	sdelay $0x2  }
0xba: {  	s31 =	sshll.u32 s1, $0xD;
	s1 =	sshrl.u32 s1, $0x2  }
0xbb: {  	s3 =	sand.u32 $0x4000, s31;
	s1 =	sadd.s32 s1, s30  }
0xbc: {  	s0 =	sor.u32 s3, s0;
	s1 =	sshll.u32 s1, $0x11  }
0xbd: {  	s0 =	sor.u32 s1, s0  }
0xbe: {  	s0 =	sadd.s32 $0x8F2B, s0  }
0xbf: {  	[sflag:s0] =	ssyncadd.remote.s32 $0x1  }
0xc0: {  	_ =	sfence.sel $0xFFFF  }
0xc1: {  	[dreg:$0x0] =	wrdreg $0xFFFFFFFF;
	(pc) =	sbr.abs _section_cstart, $3  }
0xc2: {  	[dreg:$0x1] =	wrdreg $0xFFFFFFFF  }
0xc3: {  	_ =	task.clear_ibuf [dreg:s8], $0x2FFFF;
	_ =	strace $0x9FFFFFFF  }
0xc4: {  	(tm) =	ssettm $0x7FFFFFFF  }
0xc5: {  	_ =	shalt  }
tec
execute0_lowered:
.L_overlay_start_1:
0x0: {  	(tag) =	ssettag $0x1  }
0x1: {  	s1 =	rddreg [dreg:$0x0]  }
0x2: {  	s2 =	srdreg.scid;
	s4 =	rddreg [dreg:$0x1]  }
0x3: {  	s0 =	stileid.u32;
	s5 =	rddreg [dreg:$0x2]  }
0x4: {  	s9 =	simm.s32 $0x1980;
	s10 =	simm.s32 $0x2180;
	s11 =	simm.s32 $0x2980  }
0x5: {  	s12 =	simm.s32 $0x3180;
	s13 =	simm.s32 $0x3980;
	s14 =	simm.s32 $0x4180  }
0x6: {  	s15 =	simm.s32 $0x4980;
	s16 =	simm.s32 $0x5180;
	s25 =	simm.s32 $0x6980  }
0x7: {  	s17 =	simm.s32 $0x5980;
	s26 =	simm.s32 $0x7180;
	s18 =	simm.s32 $0x6180  }
0x8: {  	s19 =	simm.s32 $0x7980;
	s2 =	sand.u32 $0x1, s2;
	s3 =	sshll.u32 s0, $0x1  }
0x9: {  	s28 =	simm.s32 $0xB980;
	s29 =	simm.s32 $0x1;
	s6 =	sor.u32 s2, s3  }
0xa: {  	s30 =	simm.s32 $0x3;
	s31 =	simm.s32 $0x2;
	s7 =	smul.u32 $0x24, s6  }
0xb: {  	s3 =	simm.s32 $0x0;
	s2 =	ssub.s32 $0x2, s2;
	s8 =	smul.u32 $0x12000, s6  }
0xc: {  	[smem:$0x7FF] =	sst s3;
	s6 =	smul.u32 $0x2400, s6;
	s22 =	sshrl.u32 s2, $0x1  }
0xd: {  	_ =	strace $0x80000047;
	s2 =	ssub.s32 s2, s22;
	[dreg:$0x8] =	wrdreg s25  }
0xe: {  	[dreg:$0x9] =	wrdreg s26;
	s22 =	simm.s32 $0x9180;
	s25 =	simm.s32 $0xA980  }
0xf: {  	s26 =	simm.s32 $0xB180;
	s4 =	sadd.s32 s4, s7;
	s20 =	sshrl.u32 s8, $0x3  }
0x10: {  	s21 =	sadd.s32 s5, s6;
	s6 =	simm.s32 $0x180;
	s7 =	simm.s32 $0x980  }
0x11: {  	s8 =	simm.s32 $0x1180;
	[dreg:$0x4] =	wrdreg s4;
	s5 =	sadd.s32 s5, s20  }
0x12: {  	[dreg:$0x5] =	wrdreg s21;
	s4 =	smax.u32 s2, $0x1;
	s20 =	simm.s32 $0x8180  }
0x13: {  	v2 =	vlaneseq.u32;
	s21 =	simm.s32 $0x8980;
	s2 =	simm.s32 $0x4;
	s23 =	sadd.s32 $0xC00, s5  }
0x14: {  	vm0 =	vmmov $0xffff;
	v1 =	vshrl.u32 v2, $0x3;
	s24 =	sadd.s32 $0x1800, s5;
	s5 =	simm.s32 $0x5;
	[dreg:$0x6] =	wrdreg s23  }
0x15: {  	v0 =	vand.u32 $0x7, v2;
	v2 =	vor.u32 $0x8, v2;
	v1 =	vmul.u32 $0x8, v1;
	[dreg:$0x7] =	wrdreg s24;
	s23 =	simm.s32 $0x9980;
	s24 =	simm.s32 $0xA180  }
.LBB2_1:
0x16: {  	s0 =	rddreg [dreg:$0x4]  }
0x17: {  	[tilespmem:s3], [sflag:$0x5] =	stream.linear.gather [hbm4b:s0+s3], $0x120, $0x38;
	[tilespmem:$0xC180] =	vst v63  }
0x18: {  	_ =	swait.ge [sflag:s5], $0x120  }
0x19: {  	[sflag:s5] =	ssyncset.done $0x0  }
0x1a: {  	[sflag:s5] =	ssyncadd.s32 $0xFFFFFEE0  }
0x1b: {  	v3 =	vld [tilespmem:$0x0];
	_ =	sdelay $0x4  }
0x1c: {  	v4 =	vshll.u32 v3, $0x1  }
0x1d: {  	v3 =	vand.u32 $0x7, v3;
	v4 =	vand.u32 $0xFFFFFFF0, v4  }
0x1e: {  	v3 =	vor.u32 v3, v4  }
0x1f: {  	v4 =	vperm.xlane v3, v0;
	_ =	sdelay $0x1  }
0x20: {  	v3 =	vperm.xlane v3, v2;
	v4 =	vadd.s32 v1, v4;
	_ =	sdelay $0x1  }
0x21: {  	v3 =	vadd.s32 v1, v3;
	_ =	sdelay $0x2  }
0x22: {  	[tilespmem:s6], [sflag:$0x1] =	stream.indirect_vreg.gather [hbm4b:s1+s3], $0x80, v4, vm0, $0xb8;
	[tilespmem:$0xC180] =	vst v63  }
0x23: {  	_ = 	snop  }
0x24: {  	[tilespmem:s7], [sflag:$0x1] =	stream.indirect_vreg.gather [hbm4b:s1+s3], $0x80, v3, vm0, $0xb8;
	[tilespmem:$0xC180] =	vst v63  }
0x25: {  	v3 =	vld [tilespmem:$0x10];
	_ =	sdelay $0x4  }
0x26: {  	v47 =	vshll.u32 v3, $0x1  }
0x27: {  	v3 =	vand.u32 $0x7, v3;
	v4 =	vand.u32 $0xFFFFFFF0, v47  }
0x28: {  	v3 =	vor.u32 v3, v4  }
0x29: {  	v4 =	vperm.xlane v3, v0;
	_ =	sdelay $0x1  }
0x2a: {  	v3 =	vperm.xlane v3, v2;
	v4 =	vadd.s32 v1, v4;
	_ =	sdelay $0x1  }
0x2b: {  	v3 =	vadd.s32 v1, v3;
	_ =	sdelay $0x2  }
0x2c: {  	[tilespmem:s8], [sflag:$0x1] =	stream.indirect_vreg.gather [hbm4b:s1+s3], $0x80, v4, vm0, $0xb8;
	[tilespmem:$0xC180] =	vst v63  }
0x2d: {  	_ = 	snop  }
0x2e: {  	[tilespmem:s9], [sflag:$0x1] =	stream.indirect_vreg.gather [hbm4b:s1+s3], $0x80, v3, vm0, $0xb8;
	[tilespmem:$0xC180] =	vst v63  }
0x2f: {  	v3 =	vld [tilespmem:$0x20];
	_ =	sdelay $0x4  }
0x30: {  	v48 =	vshll.u32 v3, $0x1  }
0x31: {  	v3 =	vand.u32 $0x7, v3;
	v4 =	vand.u32 $0xFFFFFFF0, v48  }
0x32: {  	v3 =	vor.u32 v3, v4  }
0x33: {  	v4 =	vperm.xlane v3, v0;
	_ =	sdelay $0x1  }
0x34: {  	v3 =	vperm.xlane v3, v2;
	v4 =	vadd.s32 v1, v4;
	_ =	sdelay $0x1  }
0x35: {  	v3 =	vadd.s32 v1, v3;
	_ =	sdelay $0x2  }
0x36: {  	[tilespmem:s10], [sflag:$0x1] =	stream.indirect_vreg.gather [hbm4b:s1+s3], $0x80, v4, vm0, $0xb8;
	[tilespmem:$0xC180] =	vst v63  }
0x37: {  	_ = 	snop  }
0x38: {  	[tilespmem:s11], [sflag:$0x1] =	stream.indirect_vreg.gather [hbm4b:s1+s3], $0x80, v3, vm0, $0xb8;
	[tilespmem:$0xC180] =	vst v63  }
0x39: {  	v3 =	vld [tilespmem:$0x30];
	_ =	sdelay $0x4  }
0x3a: {  	v49 =	vshll.u32 v3, $0x1  }
0x3b: {  	v3 =	vand.u32 $0x7, v3;
	v4 =	vand.u32 $0xFFFFFFF0, v49  }
0x3c: {  	v3 =	vor.u32 v3, v4  }
0x3d: {  	v4 =	vperm.xlane v3, v0;
	_ =	sdelay $0x1  }
0x3e: {  	v3 =	vperm.xlane v3, v2;
	v4 =	vadd.s32 v1, v4;
	_ =	sdelay $0x1  }
0x3f: {  	v3 =	vadd.s32 v1, v3;
	_ =	sdelay $0x2  }
0x40: {  	[tilespmem:s12], [sflag:$0x1] =	stream.indirect_vreg.gather [hbm4b:s1+s3], $0x80, v4, vm0, $0xb8;
	[tilespmem:$0xC180] =	vst v63  }
0x41: {  	_ = 	snop  }
0x42: {  	[tilespmem:s13], [sflag:$0x1] =	stream.indirect_vreg.gather [hbm4b:s1+s3], $0x80, v3, vm0, $0xb8;
	[tilespmem:$0xC180] =	vst v63  }
0x43: {  	v3 =	vld [tilespmem:$0x40];
	_ =	sdelay $0x4  }
0x44: {  	v50 =	vshll.u32 v3, $0x1  }
0x45: {  	v3 =	vand.u32 $0x7, v3;
	v4 =	vand.u32 $0xFFFFFFF0, v50  }
0x46: {  	v3 =	vor.u32 v3, v4  }
0x47: {  	v4 =	vperm.xlane v3, v0;
	_ =	sdelay $0x1  }
0x48: {  	v3 =	vperm.xlane v3, v2;
	v4 =	vadd.s32 v1, v4;
	_ =	sdelay $0x1  }
0x49: {  	v3 =	vadd.s32 v1, v3;
	_ =	sdelay $0x2  }
0x4a: {  	[tilespmem:s14], [sflag:$0x1] =	stream.indirect_vreg.gather [hbm4b:s1+s3], $0x80, v4, vm0, $0xb8;
	[tilespmem:$0xC180] =	vst v63  }
0x4b: {  	_ = 	snop  }
0x4c: {  	[tilespmem:s15], [sflag:$0x1] =	stream.indirect_vreg.gather [hbm4b:s1+s3], $0x80, v3, vm0, $0xb8;
	[tilespmem:$0xC180] =	vst v63  }
0x4d: {  	v3 =	vld [tilespmem:$0x50];
	_ =	sdelay $0x4  }
0x4e: {  	v51 =	vshll.u32 v3, $0x1  }
0x4f: {  	v3 =	vand.u32 $0x7, v3;
	v4 =	vand.u32 $0xFFFFFFF0, v51  }
0x50: {  	v3 =	vor.u32 v3, v4  }
0x51: {  	v4 =	vperm.xlane v3, v0;
	_ =	sdelay $0x1  }
0x52: {  	v3 =	vperm.xlane v3, v2;
	v4 =	vadd.s32 v1, v4;
	_ =	sdelay $0x1  }
0x53: {  	v3 =	vadd.s32 v1, v3;
	_ =	sdelay $0x2  }
0x54: {  	[tilespmem:s16], [sflag:$0x1] =	stream.indirect_vreg.gather [hbm4b:s1+s3], $0x80, v4, vm0, $0xb8;
	[tilespmem:$0xC180] =	vst v63  }
0x55: {  	_ = 	snop  }
0x56: {  	[tilespmem:s17], [sflag:$0x1] =	stream.indirect_vreg.gather [hbm4b:s1+s3], $0x80, v3, vm0, $0xb8;
	[tilespmem:$0xC180] =	vst v63  }
0x57: {  	v3 =	vld [tilespmem:$0x60];
	_ =	sdelay $0x4  }
0x58: {  	v52 =	vshll.u32 v3, $0x1  }
0x59: {  	v3 =	vand.u32 $0x7, v3;
	v4 =	vand.u32 $0xFFFFFFF0, v52  }
0x5a: {  	v3 =	vor.u32 v3, v4  }
0x5b: {  	v4 =	vperm.xlane v3, v0;
	_ =	sdelay $0x1  }
0x5c: {  	v3 =	vperm.xlane v3, v2;
	v4 =	vadd.s32 v1, v4;
	_ =	sdelay $0x1  }
0x5d: {  	v3 =	vadd.s32 v1, v3;
	_ =	sdelay $0x2  }
0x5e: {  	[tilespmem:s18], [sflag:$0x2] =	stream.indirect_vreg.gather [hbm4b:s1+s3], $0x80, v4, vm0, $0xb8;
	[tilespmem:$0xC180] =	vst v63  }
0x5f: {  	s0 =	rddreg [dreg:$0x8]  }
0x60: {  	[tilespmem:s0], [sflag:$0x2] =	stream.indirect_vreg.gather [hbm4b:s1+s3], $0x80, v3, vm0, $0xb8;
	[tilespmem:$0xC180] =	vst v63  }
0x61: {  	v3 =	vld [tilespmem:$0x70];
	_ =	sdelay $0x4  }
0x62: {  	v53 =	vshll.u32 v3, $0x1  }
0x63: {  	v3 =	vand.u32 $0x7, v3;
	v4 =	vand.u32 $0xFFFFFFF0, v53  }
0x64: {  	v3 =	vor.u32 v3, v4  }
0x65: {  	v4 =	vperm.xlane v3, v0;
	_ =	sdelay $0x1  }
0x66: {  	v3 =	vperm.xlane v3, v2;
	v4 =	vadd.s32 v1, v4;
	_ =	sdelay $0x1  }
0x67: {  	v3 =	vadd.s32 v1, v3;
	_ =	sdelay $0x1  }
0x68: {  	s0 =	rddreg [dreg:$0x9]  }
0x69: {  	[tilespmem:s0], [sflag:$0x2] =	stream.indirect_vreg.gather [hbm4b:s1+s3], $0x80, v4, vm0, $0xb8;
	[tilespmem:$0xC180] =	vst v63  }
0x6a: {  	_ = 	snop  }
0x6b: {  	[tilespmem:s19], [sflag:$0x2] =	stream.indirect_vreg.gather [hbm4b:s1+s3], $0x80, v3, vm0, $0xb8;
	[tilespmem:$0xC180] =	vst v63  }
0x6c: {  	v3 =	vld [tilespmem:$0x80];
	_ =	sdelay $0x4  }
0x6d: {  	v54 =	vshll.u32 v3, $0x1  }
0x6e: {  	v3 =	vand.u32 $0x7, v3;
	v4 =	vand.u32 $0xFFFFFFF0, v54  }
0x6f: {  	v3 =	vor.u32 v3, v4  }
0x70: {  	v4 =	vperm.xlane v3, v0;
	_ =	sdelay $0x1  }
0x71: {  	v3 =	vperm.xlane v3, v2;
	v4 =	vadd.s32 v1, v4;
	_ =	sdelay $0x1  }
0x72: {  	v3 =	vadd.s32 v1, v3;
	_ =	sdelay $0x2  }
0x73: {  	[tilespmem:s20], [sflag:$0x2] =	stream.indirect_vreg.gather [hbm4b:s1+s3], $0x80, v4, vm0, $0xb8;
	[tilespmem:$0xC180] =	vst v63  }
0x74: {  	_ = 	snop  }
0x75: {  	[tilespmem:s21], [sflag:$0x2] =	stream.indirect_vreg.gather [hbm4b:s1+s3], $0x80, v3, vm0, $0xb8;
	[tilespmem:$0xC180] =	vst v63  }
0x76: {  	v3 =	vld [tilespmem:$0x90];
	_ =	sdelay $0x4  }
0x77: {  	v55 =	vshll.u32 v3, $0x1  }
0x78: {  	v3 =	vand.u32 $0x7, v3;
	v4 =	vand.u32 $0xFFFFFFF0, v55  }
0x79: {  	v3 =	vor.u32 v3, v4  }
0x7a: {  	v4 =	vperm.xlane v3, v0;
	_ =	sdelay $0x1  }
0x7b: {  	v3 =	vperm.xlane v3, v2;
	v4 =	vadd.s32 v1, v4;
	_ =	sdelay $0x1  }
0x7c: {  	v3 =	vadd.s32 v1, v3;
	_ =	sdelay $0x2  }
0x7d: {  	[tilespmem:s22], [sflag:$0x2] =	stream.indirect_vreg.gather [hbm4b:s1+s3], $0x80, v4, vm0, $0xb8;
	[tilespmem:$0xC180] =	vst v63  }
0x7e: {  	_ = 	snop  }
0x7f: {  	[tilespmem:s23], [sflag:$0x2] =	stream.indirect_vreg.gather [hbm4b:s1+s3], $0x80, v3, vm0, $0xb8;
	[tilespmem:$0xC180] =	vst v63  }
0x80: {  	v3 =	vld [tilespmem:$0xA0];
	_ =	sdelay $0x4  }
0x81: {  	v56 =	vshll.u32 v3, $0x1  }
0x82: {  	v3 =	vand.u32 $0x7, v3;
	v4 =	vand.u32 $0xFFFFFFF0, v56  }
0x83: {  	v3 =	vor.u32 v3, v4  }
0x84: {  	v4 =	vperm.xlane v3, v0;
	_ =	sdelay $0x1  }
0x85: {  	v3 =	vperm.xlane v3, v2;
	v4 =	vadd.s32 v1, v4;
	_ =	sdelay $0x1  }
0x86: {  	v3 =	vadd.s32 v1, v3;
	_ =	sdelay $0x2  }
0x87: {  	[tilespmem:s24], [sflag:$0x2] =	stream.indirect_vreg.gather [hbm4b:s1+s3], $0x80, v4, vm0, $0xb8;
	[tilespmem:$0xC180] =	vst v63  }
0x88: {  	_ = 	snop  }
0x89: {  	[tilespmem:s25], [sflag:$0x2] =	stream.indirect_vreg.gather [hbm4b:s1+s3], $0x80, v3, vm0, $0xb8;
	[tilespmem:$0xC180] =	vst v63  }
0x8a: {  	v3 =	vld [tilespmem:$0xB0];
	_ =	sdelay $0x4  }
0x8b: {  	v57 =	vshll.u32 v3, $0x1  }
0x8c: {  	v3 =	vand.u32 $0x7, v3;
	v4 =	vand.u32 $0xFFFFFFF0, v57  }
0x8d: {  	v3 =	vor.u32 v3, v4  }
0x8e: {  	v4 =	vperm.xlane v3, v0;
	_ =	sdelay $0x1  }
0x8f: {  	v3 =	vperm.xlane v3, v2;
	v4 =	vadd.s32 v1, v4;
	_ =	sdelay $0x1  }
0x90: {  	v3 =	vadd.s32 v1, v3;
	_ =	sdelay $0x2  }
0x91: {  	[tilespmem:s26], [sflag:$0x2] =	stream.indirect_vreg.gather [hbm4b:s1+s3], $0x80, v4, vm0, $0xb8;
	[tilespmem:$0xC180] =	vst v63  }
0x92: {  	_ = 	snop  }
0x93: {  	[tilespmem:s28], [sflag:$0x2] =	stream.indirect_vreg.gather [hbm4b:s1+s3], $0x80, v3, vm0, $0xb8;
	[tilespmem:$0xC180] =	vst v63  }
0x94: {  	_ =	swait.ge [sflag:s29], $0x6000  }
0x95: {  	[sflag:s29] =	ssyncset.done $0x0  }
0x96: {  	s0 =	rddreg [dreg:$0x5];
	[sflag:s29] =	ssyncadd.s32 $0xFFFFA000  }
0x97: {  	[hbm4b:s0+s3] =	stream.linear.scatter [tilespmem:s6], [sflag:$0x3], $0x6000, $0x38;
	[tilespmem:$0xC180] =	vst v63  }
0x98: {  	_ =	swait.ge [sflag:s30], $0x6000  }
0x99: {  	[sflag:s30] =	ssyncset.done $0x0  }
0x9a: {  	[sflag:s30] =	ssyncadd.s32 $0xFFFFA000  }
0x9b: {  	v3 =	vld [tilespmem:$0xC0];
	_ =	sdelay $0x4  }
0x9c: {  	v58 =	vshll.u32 v3, $0x1  }
0x9d: {  	v3 =	vand.u32 $0x7, v3;
	v4 =	vand.u32 $0xFFFFFFF0, v58  }
0x9e: {  	v3 =	vor.u32 v3, v4  }
0x9f: {  	v4 =	vperm.xlane v3, v0;
	_ =	sdelay $0x1  }
0xa0: {  	v3 =	vperm.xlane v3, v2;
	v4 =	vadd.s32 v1, v4;
	_ =	sdelay $0x1  }
0xa1: {  	v3 =	vadd.s32 v1, v3;
	_ =	sdelay $0x2  }
0xa2: {  	[tilespmem:s6], [sflag:$0x1] =	stream.indirect_vreg.gather [hbm4b:s1+s3], $0x80, v4, vm0, $0xb8;
	[tilespmem:$0xC180] =	vst v63  }
0xa3: {  	_ = 	snop  }
0xa4: {  	[tilespmem:s7], [sflag:$0x1] =	stream.indirect_vreg.gather [hbm4b:s1+s3], $0x80, v3, vm0, $0xb8;
	[tilespmem:$0xC180] =	vst v63  }
0xa5: {  	v3 =	vld [tilespmem:$0xD0];
	_ =	sdelay $0x4  }
0xa6: {  	v59 =	vshll.u32 v3, $0x1  }
0xa7: {  	v3 =	vand.u32 $0x7, v3;
	v4 =	vand.u32 $0xFFFFFFF0, v59  }
0xa8: {  	v3 =	vor.u32 v3, v4  }
0xa9: {  	v4 =	vperm.xlane v3, v0;
	_ =	sdelay $0x1  }
0xaa: {  	v3 =	vperm.xlane v3, v2;
	v4 =	vadd.s32 v1, v4;
	_ =	sdelay $0x1  }
0xab: {  	v3 =	vadd.s32 v1, v3;
	_ =	sdelay $0x2  }
0xac: {  	[tilespmem:s8], [sflag:$0x1] =	stream.indirect_vreg.gather [hbm4b:s1+s3], $0x80, v4, vm0, $0xb8;
	[tilespmem:$0xC180] =	vst v63  }
0xad: {  	_ = 	snop  }
0xae: {  	[tilespmem:s9], [sflag:$0x1] =	stream.indirect_vreg.gather [hbm4b:s1+s3], $0x80, v3, vm0, $0xb8;
	[tilespmem:$0xC180] =	vst v63  }
0xaf: {  	v3 =	vld [tilespmem:$0xE0];
	_ =	sdelay $0x4  }
0xb0: {  	v60 =	vshll.u32 v3, $0x1  }
0xb1: {  	v3 =	vand.u32 $0x7, v3;
	v4 =	vand.u32 $0xFFFFFFF0, v60  }
0xb2: {  	v3 =	vor.u32 v3, v4  }
0xb3: {  	v4 =	vperm.xlane v3, v0;
	_ =	sdelay $0x1  }
0xb4: {  	v3 =	vperm.xlane v3, v2;
	v4 =	vadd.s32 v1, v4;
	_ =	sdelay $0x1  }
0xb5: {  	v3 =	vadd.s32 v1, v3;
	_ =	sdelay $0x2  }
0xb6: {  	[tilespmem:s10], [sflag:$0x1] =	stream.indirect_vreg.gather [hbm4b:s1+s3], $0x80, v4, vm0, $0xb8;
	[tilespmem:$0xC180] =	vst v63  }
0xb7: {  	_ = 	snop  }
0xb8: {  	[tilespmem:s11], [sflag:$0x1] =	stream.indirect_vreg.gather [hbm4b:s1+s3], $0x80, v3, vm0, $0xb8;
	[tilespmem:$0xC180] =	vst v63  }
0xb9: {  	v3 =	vld [tilespmem:$0xF0];
	_ =	sdelay $0x4  }
0xba: {  	v61 =	vshll.u32 v3, $0x1  }
0xbb: {  	v3 =	vand.u32 $0x7, v3;
	v4 =	vand.u32 $0xFFFFFFF0, v61  }
0xbc: {  	v3 =	vor.u32 v3, v4  }
0xbd: {  	v4 =	vperm.xlane v3, v0;
	_ =	sdelay $0x1  }
0xbe: {  	v3 =	vperm.xlane v3, v2;
	v4 =	vadd.s32 v1, v4;
	_ =	sdelay $0x1  }
0xbf: {  	v3 =	vadd.s32 v1, v3;
	_ =	sdelay $0x2  }
0xc0: {  	[tilespmem:s12], [sflag:$0x1] =	stream.indirect_vreg.gather [hbm4b:s1+s3], $0x80, v4, vm0, $0xb8;
	[tilespmem:$0xC180] =	vst v63  }
0xc1: {  	_ = 	snop  }
0xc2: {  	[tilespmem:s13], [sflag:$0x1] =	stream.indirect_vreg.gather [hbm4b:s1+s3], $0x80, v3, vm0, $0xb8;
	[tilespmem:$0xC180] =	vst v63  }
0xc3: {  	v3 =	vld [tilespmem:$0x100];
	_ =	sdelay $0x4  }
0xc4: {  	v62 =	vshll.u32 v3, $0x1  }
0xc5: {  	v3 =	vand.u32 $0x7, v3;
	v4 =	vand.u32 $0xFFFFFFF0, v62  }
0xc6: {  	v3 =	vor.u32 v3, v4  }
0xc7: {  	v4 =	vperm.xlane v3, v0;
	_ =	sdelay $0x1  }
0xc8: {  	v3 =	vperm.xlane v3, v2;
	v4 =	vadd.s32 v1, v4;
	_ =	sdelay $0x1  }
0xc9: {  	v3 =	vadd.s32 v1, v3;
	_ =	sdelay $0x2  }
0xca: {  	[tilespmem:s14], [sflag:$0x1] =	stream.indirect_vreg.gather [hbm4b:s1+s3], $0x80, v4, vm0, $0xb8;
	[tilespmem:$0xC180] =	vst v63  }
0xcb: {  	_ = 	snop  }
0xcc: {  	[tilespmem:s15], [sflag:$0x1] =	stream.indirect_vreg.gather [hbm4b:s1+s3], $0x80, v3, vm0, $0xb8;
	[tilespmem:$0xC180] =	vst v63  }
0xcd: {  	v3 =	vld [tilespmem:$0x110];
	_ =	sdelay $0x4  }
0xce: {  	v63 =	vshll.u32 v3, $0x1  }
0xcf: {  	v3 =	vand.u32 $0x7, v3;
	v4 =	vand.u32 $0xFFFFFFF0, v63  }
0xd0: {  	v3 =	vor.u32 v3, v4  }
0xd1: {  	v4 =	vperm.xlane v3, v0;
	_ =	sdelay $0x1  }
0xd2: {  	v3 =	vperm.xlane v3, v2;
	v4 =	vadd.s32 v1, v4;
	_ =	sdelay $0x1  }
0xd3: {  	v3 =	vadd.s32 v1, v3;
	_ =	sdelay $0x2  }
0xd4: {  	[tilespmem:s16], [sflag:$0x1] =	stream.indirect_vreg.gather [hbm4b:s1+s3], $0x80, v4, vm0, $0xb8;
	[tilespmem:$0xC180] =	vst v63  }
0xd5: {  	_ = 	snop  }
0xd6: {  	[tilespmem:s17], [sflag:$0x1] =	stream.indirect_vreg.gather [hbm4b:s1+s3], $0x80, v3, vm0, $0xb8;
	[tilespmem:$0xC180] =	vst v63  }
0xd7: {  	_ =	swait.ge [sflag:s31], $0x6000  }
0xd8: {  	[sflag:s31] =	ssyncset.done $0x0  }
0xd9: {  	s0 =	rddreg [dreg:$0x6];
	[sflag:s31] =	ssyncadd.s32 $0xFFFFA000  }
0xda: {  	[hbm4b:s0+s3] =	stream.linear.scatter [tilespmem:s18], [sflag:$0x4], $0x6000, $0x38;
	[tilespmem:$0xC180] =	vst v63  }
0xdb: {  	_ =	swait.ge [sflag:s29], $0x6000  }
0xdc: {  	[sflag:s29] =	ssyncset.done $0x0  }
0xdd: {  	s0 =	rddreg [dreg:$0x7];
	[sflag:s29] =	ssyncadd.s32 $0xFFFFA000  }
0xde: {  	[hbm4b:s0+s3] =	stream.linear.scatter [tilespmem:s6], [sflag:$0x3], $0x6000, $0x38;
	[tilespmem:$0xC180] =	vst v63  }
0xdf: {  	p0 =	sne.s32 s4, $0x1;
	_ =	swait.ge [sflag:s2], $0x6000  }
.Ltmp0:
0xe0: {  	[sflag:s2] =	ssyncset.done $0x0;
	(pc) =	sbr.rel @p0 .LBB2_1-.Ltmp0, $4  }
0xe1: {  	[sflag:s2] =	ssyncadd.s32 $0xFFFFA000  }
0xe2: {  	_ =	swait.ge [sflag:s30], $0x6000  }
0xe3: {  	[sflag:s30] =	ssyncset.done $0x0  }
0xe4: {  	s4 =	sadd.s32 $0xFFFFFFFF, s4;
	[sflag:s30] =	ssyncadd.s32 $0xFFFFA000  }
0xe5: {  	_ =	sfence.sel $0x180000  }
0xe6: {  	[bflag:$0x0] =	sbarrier.arrive $0xFFFF  }
0xe7: {  	_ =	strace $0x90000047  }
0xe8: {  	s0 =	stileid.u32;
	[bflag:$0x2] =	sbarrier.arrive $0xFFFF  }
0xe9: {  	p0 =	sne.s32 s0, $0x0;
	s0 =	rddreg [dreg:$0x3]  }
0xea: {  	s0 =	sadd.s32 @!p0 $0x100000, s0  }
0xeb: {  	[sflag:s0] =	ssyncadd.tile.s32 @!p0 $0x1;
	_ =	shalt  }
.Lfunc_end2:
_tile_overlayer_lowered:
.L_overlay_start_2:
0xec: {  	(tag) =	ssettag $0x2  }
0xed: {  	s0 =	rddreg [dreg:$0x0];
	s2 =	stileid.u32  }
0xee: {  	s1 =	rddreg [dreg:$0x1];
	p0 =	sne.s32 s2, $0x0  }
0xef: {  	s3 =	rddreg [dreg:$0x2];
	[bflag:$0x3] =	sbarrier.arrive $0xFFFF;
	s2 =	simm.s32 @!p0 $0x1C05  }
0xf0: {  	[timem:s3], [sflag:s2] =	dma.local @!p0 [hbm:s0], s1  }
0xf1: {  	s0 =	simm.s32 @!p0 $0x5  }
0xf2: {  	_ =	swait.ge @!p0 [sflag:s0], s1  }
0xf3: {  	s1 =	ssub.s32 @!p0 $0x0, s1;
	[sflag:s0] =	ssyncset.done @!p0 $0x0  }
0xf4: {  	[sflag:s0] =	ssyncadd.s32 @!p0 s1  }
0xf5: {  	[bflag:$0x3] =	sbarrier.arrive $0xFFFF  }
0xf6: {  	_ =	shalt  }

</sc_bundles>
